<compile_context>
chip_gen: v7x
topology: tpu7x:2x2x1
jax: 0.10.2.dev20260603
libtpu: 0.0.44.dev20260713+nightly
codegen_flags: <defaults>
</compile_context>

<pallas_src>
import functools

import jax
import jax.numpy as jnp
from jax import lax
from jax.experimental import pallas as pl
from jax.experimental.pallas import tpu as pltpu
from jax.experimental.pallas import tpu_sc as plsc

C = 256
OUT = 256
K = 16
N = 10000
NPAD = 10240
LANES = 16

NC, NS = 2, 16
NW = NC * NS
NODES_PER_W = NPAD // NW
G = 4
ITERS = NODES_PER_W // G
ROWS = G * K


def _tree_reduce(op, xs):
    while len(xs) > 1:
        xs = [op(xs[i], xs[i + 1]) if i + 1 < len(xs) else xs[i]
              for i in range(0, len(xs), 2)]
    return xs[0]


def _proj_body(x_ref, w_ref, b_ref, ti_ref, tj_ref):
    p = lax.dot_general(x_ref[...], w_ref[...], (((1,), (0,)), ((), ())),
                        preferred_element_type=jnp.float32)
    p = p + b_ref[...]

    def pack(e, a):
        e16 = lax.bitcast_convert_type(e.astype(jnp.bfloat16), jnp.uint16)
        a16 = lax.bitcast_convert_type(a.astype(jnp.bfloat16), jnp.uint16)
        return e16.astype(jnp.uint32) | (a16.astype(jnp.uint32) << 16)

    ti_ref[...] = pack(p[:, :OUT], p[:, OUT:2 * OUT])
    tj_ref[...] = pack(p[:, 2 * OUT:3 * OUT], p[:, 3 * OUT:])


def _project(x2p, wc, bias2d):
    bn = 1024
    return pl.pallas_call(
        _proj_body,
        grid=(NPAD // bn,),
        in_specs=[
            pl.BlockSpec((bn, C), lambda i: (i, 0)),
            pl.BlockSpec((C, 4 * OUT), lambda i: (0, 0)),
            pl.BlockSpec((1, 4 * OUT), lambda i: (0, 0)),
        ],
        out_specs=[
            pl.BlockSpec((bn, OUT), lambda i: (i, 0)),
            pl.BlockSpec((bn, OUT), lambda i: (i, 0)),
        ],
        out_shape=[jax.ShapeDtypeStruct((NPAD, OUT), jnp.uint32)] * 2,
    )(x2p, wc, bias2d)


def _sc_body(ti_hbm, tj_hbm, ii_hbm, jj_hbm, out_hbm,
             ii_all, jj_all, gi0, gj0, gi1, gj1, ob_v,
             s_i0, s_j0, s_i1, s_j1):
    wid = lax.axis_index("s") * NC + lax.axis_index("c")
    base_w_edge = wid * NODES_PER_W * K
    pltpu.sync_copy(ii_hbm.at[pl.ds(base_w_edge, NODES_PER_W * K)], ii_all)
    pltpu.sync_copy(jj_hbm.at[pl.ds(base_w_edge, NODES_PER_W * K)], jj_all)

    def fire(it, gi_v, gj_v, sem_i, sem_j):
        off = it * ROWS
        pltpu.async_copy(ti_hbm.at[ii_all.at[pl.ds(off, ROWS)]], gi_v, sem_i)
        pltpu.async_copy(tj_hbm.at[jj_all.at[pl.ds(off, ROWS)]], gj_v, sem_j)

    def wait(gi_v, gj_v, sem_i, sem_j):
        pltpu.make_async_copy(ti_hbm.at[pl.ds(0, ROWS)], gi_v, sem_i).wait()
        pltpu.make_async_copy(tj_hbm.at[pl.ds(0, ROWS)], gj_v, sem_j).wait()

    def compute(it, gi_v, gj_v):
        base_node = wid * NODES_PER_W + it * G

        @plsc.parallel_loop(0, G * (OUT // LANES), unroll=2)
        def ob_body(t):
            g = t // (OUT // LANES)
            ob = t % (OUT // LANES)
            r0 = g * K
            if True:
                col = ob * LANES
                ps = []
                pes = []
                for k in range(K):
                    wi = gi_v[r0 + k, pl.ds(col, LANES)]
                    wj = gj_v[r0 + k, pl.ds(col, LANES)]
                    wsum = (plsc.bitcast(wi, jnp.bfloat16)
                            + plsc.bitcast(wj, jnp.bfloat16))
                    e_s, a_s = plsc.unpack(
                        wsum, format=plsc.PackFormat.INTERLEAVED)
                    p = jnp.exp(a_s)
                    ps.append(p)
                    pes.append(p * e_s)
                s = _tree_reduce(lax.add, ps)
                acc = _tree_reduce(lax.add, pes)
                ob_v[g, pl.ds(col, LANES)] = acc / s

        pltpu.sync_copy(ob_v, out_hbm.at[pl.ds(base_node, G)])

    PROBE = "dma"
    if PROBE == "compute":
        def pair_body(ih, carry):
            it0 = ih * 2
            compute(it0, gi0, gj0)
            compute(it0 + 1, gi1, gj1)
            return carry

        lax.fori_loop(0, ITERS // 2, pair_body, 0)
    elif PROBE == "dma":
        fire(0, gi0, gj0, s_i0, s_j0)

        def pair_body(ih, carry):
            it0 = ih * 2
            fire(it0 + 1, gi1, gj1, s_i1, s_j1)
            wait(gi0, gj0, s_i0, s_j0)

            @pl.when(it0 + 2 < ITERS)
            def _():
                fire(it0 + 2, gi0, gj0, s_i0, s_j0)

            wait(gi1, gj1, s_i1, s_j1)
            pltpu.sync_copy(
                ob_v, out_hbm.at[pl.ds(wid * NODES_PER_W + it0 * G, G)])
            return carry

        lax.fori_loop(0, ITERS // 2, pair_body, 0)
    else:
        fire(0, gi0, gj0, s_i0, s_j0)

        def pair_body(ih, carry):
            it0 = ih * 2
            fire(it0 + 1, gi1, gj1, s_i1, s_j1)
            wait(gi0, gj0, s_i0, s_j0)
            compute(it0, gi0, gj0)

            @pl.when(it0 + 2 < ITERS)
            def _():
                fire(it0 + 2, gi0, gj0, s_i0, s_j0)

            wait(gi1, gj1, s_i1, s_j1)
            compute(it0 + 1, gi1, gj1)
            return carry

        lax.fori_loop(0, ITERS // 2, pair_body, 0)


def _edge_attn_sc(ti, tj, ii, jj):
    mesh = plsc.VectorSubcoreMesh(core_axis_name="c", subcore_axis_name="s")
    kfn = pl.kernel(
        _sc_body,
        out_type=jax.ShapeDtypeStruct((NPAD, OUT), jnp.float32),
        mesh=mesh,
        scratch_types=[
            pltpu.VMEM((NODES_PER_W * K,), jnp.int32),
            pltpu.VMEM((NODES_PER_W * K,), jnp.int32),
            pltpu.VMEM((ROWS, OUT), jnp.uint32),
            pltpu.VMEM((ROWS, OUT), jnp.uint32),
            pltpu.VMEM((ROWS, OUT), jnp.uint32),
            pltpu.VMEM((ROWS, OUT), jnp.uint32),
            pltpu.VMEM((G, OUT), jnp.float32),
            pltpu.SemaphoreType.DMA,
            pltpu.SemaphoreType.DMA,
            pltpu.SemaphoreType.DMA,
            pltpu.SemaphoreType.DMA,
        ],
        compiler_params=pltpu.CompilerParams(needs_layout_passes=False),
    )
    return kfn(ti, tj, ii, jj)


def kernel(x, edge_index, We, be, Wa, ba):
    x2 = x[0, :, :, 0].T
    x2p = jnp.pad(x2, ((0, NPAD - N), (0, 0)))
    WeA, WeB = We[:, :C], We[:, C:]
    WaA, WaB = Wa[:, :C], Wa[:, C:]
    wc = jnp.concatenate(
        [(WeA - WeB).T, (WaA - WaB).T, WeB.T, WaB.T], axis=1)
    bias2d = jnp.concatenate(
        [be, jnp.zeros((3 * OUT,), jnp.float32)])[None, :]
    ii = jnp.pad(edge_index[1, 0], ((0, NPAD - N), (0, 0))).reshape(-1)
    jj = jnp.pad(edge_index[0, 0], ((0, NPAD - N), (0, 0))).reshape(-1)

    ti, tj = _project(x2p, wc, bias2d)

    out = _edge_attn_sc(ti, tj, ii, jj)

    return out[:N].T[None, :, :, None]

# --- scband reference (transcript-rebuilt; emitter-appended) ---
"""Pipeline reference for scband-edge-attn-32650341384591 (READ-ONLY COPY).

The authoritative reference and input builder live on the scoring server;
editing this copy changes nothing except your own understanding.
"""

import jax, jax.numpy as jnp
import numpy as np

B, C, N, K = 1, 256, 10000, 16
OUT = 256


def batched_index_select(x, idx):
    # x: [B, C, N, 1], idx: [B, N, K] with values in [0, N)
    xb = x[:, :, :, 0]  # [B, C, N]
    feat = jax.vmap(lambda xc, ic: xc[:, ic])(xb, idx)  # [B, C, N, K]
    return feat


def setup_inputs(seed: int = 0) -> dict:
    key = jax.random.key(seed)
    k1, k2, k3, k4, k5, k6 = jax.random.split(key, 6)
    x = jax.random.normal(k1, (B, C, N, 1), dtype=jnp.float32)
    edge_index = jax.random.randint(k2, (2, B, N, K), 0, N, dtype=jnp.int32)
    fan_in = 2 * C
    scale = 1.0 / np.sqrt(fan_in)
    We = jax.random.normal(k3, (OUT, 2 * C), dtype=jnp.float32) * scale
    be = jax.random.normal(k4, (OUT,), dtype=jnp.float32) * 0.01
    Wa = jax.random.normal(k5, (OUT, 2 * C), dtype=jnp.float32) * scale
    ba = jax.random.normal(k6, (OUT,), dtype=jnp.float32) * 0.01
    return {"x": x, "edge_index": edge_index, "We": We, "be": be, "Wa": Wa, "ba": ba}


def reference(x, edge_index, We, be, Wa, ba):
    x_i = batched_index_select(x, edge_index[1])  # [B, C, N, K]
    x_j = batched_index_select(x, edge_index[0])  # [B, C, N, K]
    feat = jnp.concatenate([x_i, x_j - x_i], axis=1)  # [B, 2C, N, K]
    # 1x1 Conv2d == per-position linear over channel dim
    x_edge = jnp.einsum('bcnk,oc->bonk', feat, We) + be[None, :, None, None]
    attn = jnp.einsum('bcnk,oc->bonk', feat, Wa) + ba[None, :, None, None]
    attn = jax.nn.softmax(attn, axis=-1)
    out = jnp.sum(x_edge * attn, axis=-1, keepdims=True)  # [B, OUT, N, 1]
    return out

if __name__ == "__main__":
    import jax
    _d = setup_inputs()
    print(jax.jit(kernel)(*tuple(_d.values())))

</pallas_src>

<mosaic_0001>
#map = affine_map<(d0, d1) -> (0, 0)>
#map1 = affine_map<(d0, d1) -> (0)>
module attributes {stable_mosaic.version = 14 : i64} {
  func.func @_sc_body(%arg0: i32, %arg1: i32, %arg2: memref<10240x256xi32, #tpu.memory_space<hbm>>, %arg3: memref<10240x256xi32, #tpu.memory_space<hbm>>, %arg4: memref<163840xi32, #tpu.memory_space<hbm>>, %arg5: memref<163840xi32, #tpu.memory_space<hbm>>, %arg6: memref<10240x256xf32, #tpu.memory_space<hbm>>, %arg7: memref<5120xi32, #tpu.memory_space<vmem>>, %arg8: memref<5120xi32, #tpu.memory_space<vmem>>, %arg9: memref<64x256xi32, #tpu.memory_space<vmem>>, %arg10: memref<64x256xi32, #tpu.memory_space<vmem>>, %arg11: memref<64x256xi32, #tpu.memory_space<vmem>>, %arg12: memref<64x256xi32, #tpu.memory_space<vmem>>, %arg13: memref<4x256xf32, #tpu.memory_space<vmem>>, %arg14: memref<!tpu.dma_semaphore, #tpu.memory_space<semaphore_mem>>, %arg15: memref<!tpu.dma_semaphore, #tpu.memory_space<semaphore_mem>>, %arg16: memref<!tpu.dma_semaphore, #tpu.memory_space<semaphore_mem>>, %arg17: memref<!tpu.dma_semaphore, #tpu.memory_space<semaphore_mem>>) attributes {dimension_semantics = [#tpu.dimension_semantics<core_parallel>, #tpu.dimension_semantics<subcore_parallel>], iteration_bounds = array<i64: 2, 16>, scalar_prefetch = 0 : i64, scratch_operands = 11 : i64, tpu.core_type = #tpu.core_type<sc_vector_subcore>, window_params = [{transform_indices = #map}, {transform_indices = #map}, {transform_indices = #map1}, {transform_indices = #map1}, {transform_indices = #map}]} {
    %mul3A = arith.constant 2 : i32
    %mul3A_0 = arith.muli %arg1, %mul3A : i32
    %add3A = arith.addi %mul3A_0, %arg0 : i32
    %mul3A_1 = arith.constant 320 : i32
    %mul3A_2 = arith.muli %add3A, %mul3A_1 : i32
    %mul3A_3 = arith.constant 16 : i32
    %mul3A_4 = arith.muli %mul3A_2, %mul3A_3 : i32
    "tpu.region"() ({
      %run_scoped3A = tpu.sem_alloc : memref<!tpu.dma_semaphore, #tpu.memory_space<semaphore_mem>>
      %dma_start3A_19 = tpu.memref_slice %arg4[%mul3A_4] : memref<163840xi32, #tpu.memory_space<hbm>> -> memref<5120xi32, #tpu.memory_space<hbm>>
      %dma_start3A_20 = tpu.memref_slice %arg4[%mul3A_4] : memref<163840xi32, #tpu.memory_space<hbm>> -> memref<5120xi32, #tpu.memory_space<hbm>>
      tpu.enqueue_dma source(%dma_start3A_20 : memref<5120xi32, #tpu.memory_space<hbm>>) target(%arg7 : memref<5120xi32, #tpu.memory_space<vmem>>) target_semaphore(%run_scoped3A : memref<!tpu.dma_semaphore, #tpu.memory_space<semaphore_mem>>)
      %dma_wait3A = tpu.memref_slice %arg4[%mul3A_4] : memref<163840xi32, #tpu.memory_space<hbm>> -> memref<5120xi32, #tpu.memory_space<hbm>>
      %dma_wait3A_21 = tpu.memref_slice %arg4[%mul3A_4] : memref<163840xi32, #tpu.memory_space<hbm>> -> memref<5120xi32, #tpu.memory_space<hbm>>
      tpu.wait_dma2 semaphore(%run_scoped3A : memref<!tpu.dma_semaphore, #tpu.memory_space<semaphore_mem>>) src(%dma_wait3A_21 : memref<5120xi32, #tpu.memory_space<hbm>>) dst(%arg7 : memref<5120xi32, #tpu.memory_space<vmem>>)
      tpu.yield
    }) : () -> ()
    "tpu.region"() ({
      %run_scoped3A = tpu.sem_alloc : memref<!tpu.dma_semaphore, #tpu.memory_space<semaphore_mem>>
      %dma_start3A_19 = tpu.memref_slice %arg5[%mul3A_4] : memref<163840xi32, #tpu.memory_space<hbm>> -> memref<5120xi32, #tpu.memory_space<hbm>>
      %dma_start3A_20 = tpu.memref_slice %arg5[%mul3A_4] : memref<163840xi32, #tpu.memory_space<hbm>> -> memref<5120xi32, #tpu.memory_space<hbm>>
      tpu.enqueue_dma source(%dma_start3A_20 : memref<5120xi32, #tpu.memory_space<hbm>>) target(%arg8 : memref<5120xi32, #tpu.memory_space<vmem>>) target_semaphore(%run_scoped3A : memref<!tpu.dma_semaphore, #tpu.memory_space<semaphore_mem>>)
      %dma_wait3A = tpu.memref_slice %arg5[%mul3A_4] : memref<163840xi32, #tpu.memory_space<hbm>> -> memref<5120xi32, #tpu.memory_space<hbm>>
      %dma_wait3A_21 = tpu.memref_slice %arg5[%mul3A_4] : memref<163840xi32, #tpu.memory_space<hbm>> -> memref<5120xi32, #tpu.memory_space<hbm>>
      tpu.wait_dma2 semaphore(%run_scoped3A : memref<!tpu.dma_semaphore, #tpu.memory_space<semaphore_mem>>) src(%dma_wait3A_21 : memref<5120xi32, #tpu.memory_space<hbm>>) dst(%arg8 : memref<5120xi32, #tpu.memory_space<vmem>>)
      tpu.yield
    }) : () -> ()
    %dma_start3A = arith.constant 0 : i32
    %dma_start3A_5 = tpu.memref_slice %arg7[%dma_start3A] : memref<5120xi32, #tpu.memory_space<vmem>> -> memref<64xi32, #tpu.memory_space<vmem>>
    %dma_start3A_6 = arith.constant 0 : i32
    %dma_start3A_7 = arith.constant 0 : i32
    %dma_start3A_8 = tpu.memref_slice %arg2[%dma_start3A_6, %dma_start3A_7] : memref<10240x256xi32, #tpu.memory_space<hbm>> -> memref<10240x256xi32, #tpu.memory_space<hbm>>
    tpu.enqueue_indirect_dma source(%dma_start3A_8 : memref<10240x256xi32, #tpu.memory_space<hbm>>) target(%arg9 : memref<64x256xi32, #tpu.memory_space<vmem>>) offsets(%dma_start3A_5 : memref<64xi32, #tpu.memory_space<vmem>>) semaphore(%arg14 : memref<!tpu.dma_semaphore, #tpu.memory_space<semaphore_mem>>)
    %dma_start3A_9 = arith.constant 0 : i32
    %dma_start3A_10 = tpu.memref_slice %arg8[%dma_start3A_9] : memref<5120xi32, #tpu.memory_space<vmem>> -> memref<64xi32, #tpu.memory_space<vmem>>
    %dma_start3A_11 = arith.constant 0 : i32
    %dma_start3A_12 = arith.constant 0 : i32
    %dma_start3A_13 = tpu.memref_slice %arg3[%dma_start3A_11, %dma_start3A_12] : memref<10240x256xi32, #tpu.memory_space<hbm>> -> memref<10240x256xi32, #tpu.memory_space<hbm>>
    tpu.enqueue_indirect_dma source(%dma_start3A_13 : memref<10240x256xi32, #tpu.memory_space<hbm>>) target(%arg10 : memref<64x256xi32, #tpu.memory_space<vmem>>) offsets(%dma_start3A_10 : memref<64xi32, #tpu.memory_space<vmem>>) semaphore(%arg15 : memref<!tpu.dma_semaphore, #tpu.memory_space<semaphore_mem>>)
    %scan3A = arith.constant 0 : i32
    %scan3A_14 = arith.constant 0 : i32
    %scan3A_15 = arith.constant 40 : i32
    %scan3A_16 = arith.addi %scan3A_14, %scan3A_15 : i32
    %scan3A_17 = arith.constant 1 : i32
    scf.for %scan3A_19 = %scan3A_14 to %scan3A_16 step %scan3A_17  : i32 {
      %mul3A_20 = arith.constant 2 : i32
      %mul3A_21 = arith.muli %scan3A_19, %mul3A_20 : i32
      %add3A_22 = arith.constant 1 : i32
      %add3A_23 = arith.addi %mul3A_21, %add3A_22 : i32
      %mul3A_24 = arith.constant 64 : i32
      %mul3A_25 = arith.muli %add3A_23, %mul3A_24 : i32
      %dma_start3A_26 = tpu.memref_slice %arg7[%mul3A_25] : memref<5120xi32, #tpu.memory_space<vmem>> -> memref<64xi32, #tpu.memory_space<vmem>>
      %dma_start3A_27 = arith.constant 0 : i32
      %dma_start3A_28 = arith.constant 0 : i32
      %dma_start3A_29 = tpu.memref_slice %arg2[%dma_start3A_27, %dma_start3A_28] : memref<10240x256xi32, #tpu.memory_space<hbm>> -> memref<10240x256xi32, #tpu.memory_space<hbm>>
      tpu.enqueue_indirect_dma source(%dma_start3A_29 : memref<10240x256xi32, #tpu.memory_space<hbm>>) target(%arg11 : memref<64x256xi32, #tpu.memory_space<vmem>>) offsets(%dma_start3A_26 : memref<64xi32, #tpu.memory_space<vmem>>) semaphore(%arg16 : memref<!tpu.dma_semaphore, #tpu.memory_space<semaphore_mem>>)
      %dma_start3A_30 = tpu.memref_slice %arg8[%mul3A_25] : memref<5120xi32, #tpu.memory_space<vmem>> -> memref<64xi32, #tpu.memory_space<vmem>>
      %dma_start3A_31 = arith.constant 0 : i32
      %dma_start3A_32 = arith.constant 0 : i32
      %dma_start3A_33 = tpu.memref_slice %arg3[%dma_start3A_31, %dma_start3A_32] : memref<10240x256xi32, #tpu.memory_space<hbm>> -> memref<10240x256xi32, #tpu.memory_space<hbm>>
      tpu.enqueue_indirect_dma source(%dma_start3A_33 : memref<10240x256xi32, #tpu.memory_space<hbm>>) target(%arg12 : memref<64x256xi32, #tpu.memory_space<vmem>>) offsets(%dma_start3A_30 : memref<64xi32, #tpu.memory_space<vmem>>) semaphore(%arg17 : memref<!tpu.dma_semaphore, #tpu.memory_space<semaphore_mem>>)
      %dma_wait3A = arith.constant 0 : i32
      %dma_wait3A_34 = arith.constant 0 : i32
      %dma_wait3A_35 = tpu.memref_slice %arg2[%dma_wait3A, %dma_wait3A_34] : memref<10240x256xi32, #tpu.memory_space<hbm>> -> memref<64x256xi32, #tpu.memory_space<hbm>>
      %dma_wait3A_36 = arith.constant 0 : i32
      %dma_wait3A_37 = arith.constant 0 : i32
      %dma_wait3A_38 = tpu.memref_slice %arg2[%dma_wait3A_36, %dma_wait3A_37] : memref<10240x256xi32, #tpu.memory_space<hbm>> -> memref<64x256xi32, #tpu.memory_space<hbm>>
      tpu.wait_dma2 semaphore(%arg14 : memref<!tpu.dma_semaphore, #tpu.memory_space<semaphore_mem>>) src(%dma_wait3A_38 : memref<64x256xi32, #tpu.memory_space<hbm>>) dst(%arg9 : memref<64x256xi32, #tpu.memory_space<vmem>>)
      %dma_wait3A_39 = arith.constant 0 : i32
      %dma_wait3A_40 = arith.constant 0 : i32
      %dma_wait3A_41 = tpu.memref_slice %arg3[%dma_wait3A_39, %dma_wait3A_40] : memref<10240x256xi32, #tpu.memory_space<hbm>> -> memref<64x256xi32, #tpu.memory_space<hbm>>
      %dma_wait3A_42 = arith.constant 0 : i32
      %dma_wait3A_43 = arith.constant 0 : i32
      %dma_wait3A_44 = tpu.memref_slice %arg3[%dma_wait3A_42, %dma_wait3A_43] : memref<10240x256xi32, #tpu.memory_space<hbm>> -> memref<64x256xi32, #tpu.memory_space<hbm>>
      tpu.wait_dma2 semaphore(%arg15 : memref<!tpu.dma_semaphore, #tpu.memory_space<semaphore_mem>>) src(%dma_wait3A_44 : memref<64x256xi32, #tpu.memory_space<hbm>>) dst(%arg10 : memref<64x256xi32, #tpu.memory_space<vmem>>)
      %add3A_45 = arith.constant 2 : i32
      %add3A_46 = arith.addi %mul3A_21, %add3A_45 : i32
      %lt3A = arith.constant 80 : i32
      %lt3A_47 = arith.cmpi slt, %add3A_46, %lt3A : i32
      %convert_element_type3A = arith.extui %lt3A_47 : i1 to i32
      %cond3A = arith.constant 0 : i32
      %cond3A_48 = arith.cmpi ne, %convert_element_type3A, %cond3A : i32
      scf.if %cond3A_48 {
        %add3A_66 = arith.constant 2 : i32
        %add3A_67 = arith.addi %mul3A_21, %add3A_66 : i32
        %mul3A_68 = arith.constant 64 : i32
        %mul3A_69 = arith.muli %add3A_67, %mul3A_68 : i32
        %dma_start3A_70 = tpu.memref_slice %arg7[%mul3A_69] : memref<5120xi32, #tpu.memory_space<vmem>> -> memref<64xi32, #tpu.memory_space<vmem>>
        %dma_start3A_71 = arith.constant 0 : i32
        %dma_start3A_72 = arith.constant 0 : i32
        %dma_start3A_73 = tpu.memref_slice %arg2[%dma_start3A_71, %dma_start3A_72] : memref<10240x256xi32, #tpu.memory_space<hbm>> -> memref<10240x256xi32, #tpu.memory_space<hbm>>
        tpu.enqueue_indirect_dma source(%dma_start3A_73 : memref<10240x256xi32, #tpu.memory_space<hbm>>) target(%arg9 : memref<64x256xi32, #tpu.memory_space<vmem>>) offsets(%dma_start3A_70 : memref<64xi32, #tpu.memory_space<vmem>>) semaphore(%arg14 : memref<!tpu.dma_semaphore, #tpu.memory_space<semaphore_mem>>)
        %dma_start3A_74 = tpu.memref_slice %arg8[%mul3A_69] : memref<5120xi32, #tpu.memory_space<vmem>> -> memref<64xi32, #tpu.memory_space<vmem>>
        %dma_start3A_75 = arith.constant 0 : i32
        %dma_start3A_76 = arith.constant 0 : i32
        %dma_start3A_77 = tpu.memref_slice %arg3[%dma_start3A_75, %dma_start3A_76] : memref<10240x256xi32, #tpu.memory_space<hbm>> -> memref<10240x256xi32, #tpu.memory_space<hbm>>
        tpu.enqueue_indirect_dma source(%dma_start3A_77 : memref<10240x256xi32, #tpu.memory_space<hbm>>) target(%arg10 : memref<64x256xi32, #tpu.memory_space<vmem>>) offsets(%dma_start3A_74 : memref<64xi32, #tpu.memory_space<vmem>>) semaphore(%arg15 : memref<!tpu.dma_semaphore, #tpu.memory_space<semaphore_mem>>)
      } else {
      }
      %dma_wait3A_49 = arith.constant 0 : i32
      %dma_wait3A_50 = arith.constant 0 : i32
      %dma_wait3A_51 = tpu.memref_slice %arg2[%dma_wait3A_49, %dma_wait3A_50] : memref<10240x256xi32, #tpu.memory_space<hbm>> -> memref<64x256xi32, #tpu.memory_space<hbm>>
      %dma_wait3A_52 = arith.constant 0 : i32
      %dma_wait3A_53 = arith.constant 0 : i32
      %dma_wait3A_54 = tpu.memref_slice %arg2[%dma_wait3A_52, %dma_wait3A_53] : memref<10240x256xi32, #tpu.memory_space<hbm>> -> memref<64x256xi32, #tpu.memory_space<hbm>>
      tpu.wait_dma2 semaphore(%arg16 : memref<!tpu.dma_semaphore, #tpu.memory_space<semaphore_mem>>) src(%dma_wait3A_54 : memref<64x256xi32, #tpu.memory_space<hbm>>) dst(%arg11 : memref<64x256xi32, #tpu.memory_space<vmem>>)
      %dma_wait3A_55 = arith.constant 0 : i32
      %dma_wait3A_56 = arith.constant 0 : i32
      %dma_wait3A_57 = tpu.memref_slice %arg3[%dma_wait3A_55, %dma_wait3A_56] : memref<10240x256xi32, #tpu.memory_space<hbm>> -> memref<64x256xi32, #tpu.memory_space<hbm>>
      %dma_wait3A_58 = arith.constant 0 : i32
      %dma_wait3A_59 = arith.constant 0 : i32
      %dma_wait3A_60 = tpu.memref_slice %arg3[%dma_wait3A_58, %dma_wait3A_59] : memref<10240x256xi32, #tpu.memory_space<hbm>> -> memref<64x256xi32, #tpu.memory_space<hbm>>
      tpu.wait_dma2 semaphore(%arg17 : memref<!tpu.dma_semaphore, #tpu.memory_space<semaphore_mem>>) src(%dma_wait3A_60 : memref<64x256xi32, #tpu.memory_space<hbm>>) dst(%arg12 : memref<64x256xi32, #tpu.memory_space<vmem>>)
      %mul3A_61 = arith.constant 320 : i32
      %mul3A_62 = arith.muli %add3A, %mul3A_61 : i32
      %mul3A_63 = arith.constant 4 : i32
      %mul3A_64 = arith.muli %mul3A_21, %mul3A_63 : i32
      %add3A_65 = arith.addi %mul3A_62, %mul3A_64 : i32
      "tpu.region"() ({
        %run_scoped3A = tpu.sem_alloc : memref<!tpu.dma_semaphore, #tpu.memory_space<semaphore_mem>>
        %dma_start3A_66 = arith.constant 0 : i32
        %dma_start3A_67 = tpu.memref_slice %arg6[%add3A_65, %dma_start3A_66] : memref<10240x256xf32, #tpu.memory_space<hbm>> -> memref<4x256xf32, #tpu.memory_space<hbm>>
        %dma_start3A_68 = arith.constant 0 : i32
        %dma_start3A_69 = tpu.memref_slice %arg6[%add3A_65, %dma_start3A_68] : memref<10240x256xf32, #tpu.memory_space<hbm>> -> memref<4x256xf32, #tpu.memory_space<hbm>>
        tpu.enqueue_dma source(%arg13 : memref<4x256xf32, #tpu.memory_space<vmem>>) target(%dma_start3A_69 : memref<4x256xf32, #tpu.memory_space<hbm>>) target_semaphore(%run_scoped3A : memref<!tpu.dma_semaphore, #tpu.memory_space<semaphore_mem>>)
        %dma_wait3A_70 = arith.constant 0 : i32
        %dma_wait3A_71 = tpu.memref_slice %arg6[%add3A_65, %dma_wait3A_70] : memref<10240x256xf32, #tpu.memory_space<hbm>> -> memref<4x256xf32, #tpu.memory_space<hbm>>
        %dma_wait3A_72 = arith.constant 0 : i32
        %dma_wait3A_73 = tpu.memref_slice %arg6[%add3A_65, %dma_wait3A_72] : memref<10240x256xf32, #tpu.memory_space<hbm>> -> memref<4x256xf32, #tpu.memory_space<hbm>>
        tpu.wait_dma2 semaphore(%run_scoped3A : memref<!tpu.dma_semaphore, #tpu.memory_space<semaphore_mem>>) src(%arg13 : memref<4x256xf32, #tpu.memory_space<vmem>>) dst(%dma_wait3A_73 : memref<4x256xf32, #tpu.memory_space<hbm>>)
        tpu.yield
      }) : () -> ()
    }
    %scan3A_18 = arith.constant 40 : i32
    return
  }
}

module attributes {stable_mosaic.version = 14 : i64} {
  func.func @_proj_body(%arg0: i32, %arg1: memref<1024x256xf32, #tpu.memory_space<vmem>>, %arg2: memref<256x1024xf32, #tpu.memory_space<vmem>>, %arg3: memref<1x1024xf32, #tpu.memory_space<vmem>>, %arg4: memref<1024x256xi32, #tpu.memory_space<vmem>>, %arg5: memref<1024x256xi32, #tpu.memory_space<vmem>>) attributes {dimension_semantics = [#tpu.dimension_semantics<arbitrary>], iteration_bounds = array<i64: 10>, scalar_prefetch = 0 : i64, scratch_operands = 0 : i64, tpu.core_type = #tpu.core_type<tc>, window_params = [{transform_indices = @transform_0, window_bounds = array<i64: 1024, 256>}, {pipeline_mode = #tpu.pipeline_mode<synchronous>, transform_indices = @transform_1, window_bounds = array<i64: 256, 1024>}, {pipeline_mode = #tpu.pipeline_mode<synchronous>, transform_indices = @transform_2, window_bounds = array<i64: 1, 1024>}, {transform_indices = @transform_3, window_bounds = array<i64: 1024, 256>}, {transform_indices = @transform_4, window_bounds = array<i64: 1024, 256>}]} {
    %get3A = arith.constant 0 : index
    %get3A_0 = arith.constant 0 : index
    %get3A_1 = vector.load %arg1[%get3A, %get3A_0] : memref<1024x256xf32, #tpu.memory_space<vmem>>, vector<1024x256xf32>
    %get3A_2 = arith.constant 0 : index
    %get3A_3 = arith.constant 0 : index
    %get3A_4 = vector.load %arg2[%get3A_2, %get3A_3] : memref<256x1024xf32, #tpu.memory_space<vmem>>, vector<256x1024xf32>
    %dot_general3A = arith.constant dense<0.000000e+00> : vector<1024x1024xf32>
    %dot_general3A_5 = tpu.matmul %get3A_1, %get3A_4, %dot_general3A {dimension_numbers = #tpu.dot_dimension_numbers<[1], [0], [0], [1], [0, 0, 1, 1], [], []>, transpose_lhs_hint = false} : vector<1024x256xf32>, vector<256x1024xf32>, vector<1024x1024xf32> -> vector<1024x1024xf32>
    %get3A_6 = arith.constant 0 : index
    %get3A_7 = arith.constant 0 : index
    %get3A_8 = vector.load %arg3[%get3A_6, %get3A_7] : memref<1x1024xf32, #tpu.memory_space<vmem>>, vector<1x1024xf32>
    %add3A = vector.broadcast %get3A_8 : vector<1x1024xf32> to vector<1024x1024xf32>
    %add3A_9 = arith.addf %dot_general3A_5, %add3A : vector<1024x1024xf32>
    %slice3A = vector.extract_strided_slice %add3A_9 {offsets = [0, 0], sizes = [1024, 256], strides = [1, 1]} : vector<1024x1024xf32> to vector<1024x256xf32>
    %slice3A_10 = vector.extract_strided_slice %add3A_9 {offsets = [0, 256], sizes = [1024, 256], strides = [1, 1]} : vector<1024x1024xf32> to vector<1024x256xf32>
    %convert_element_type3A = arith.truncf %slice3A : vector<1024x256xf32> to vector<1024x256xbf16>
    %bitcast_convert_type3A = tpu.bitcast %convert_element_type3A : vector<1024x256xbf16> -> vector<1024x256xi16>
    %convert_element_type3A_11 = arith.truncf %slice3A_10 : vector<1024x256xf32> to vector<1024x256xbf16>
    %bitcast_convert_type3A_12 = tpu.bitcast %convert_element_type3A_11 : vector<1024x256xbf16> -> vector<1024x256xi16>
    %convert_element_type3A_13 = arith.extui %bitcast_convert_type3A : vector<1024x256xi16> to vector<1024x256xi32>
    %convert_element_type3A_14 = arith.extui %bitcast_convert_type3A_12 : vector<1024x256xi16> to vector<1024x256xi32>
    %shift_left3A = arith.constant 16 : i32
    %shift_left3A_15 = vector.broadcast %shift_left3A : i32 to vector<1024x256xi32>
    %shift_left3A_16 = arith.shli %convert_element_type3A_14, %shift_left3A_15 : vector<1024x256xi32>
    %or3A = arith.ori %convert_element_type3A_13, %shift_left3A_16 : vector<1024x256xi32>
    %swap3A = arith.constant 0 : index
    %swap3A_17 = arith.constant 0 : index
    %swap3A_18 = vector.load %arg4[%swap3A, %swap3A_17] : memref<1024x256xi32, #tpu.memory_space<vmem>>, vector<1024x256xi32>
    tpu.vector_store %arg4[%swap3A, %swap3A_17], %or3A {strides = array<i32>} : memref<1024x256xi32, #tpu.memory_space<vmem>>, vector<1024x256xi32>,
    %slice3A_19 = vector.extract_strided_slice %add3A_9 {offsets = [0, 512], sizes = [1024, 256], strides = [1, 1]} : vector<1024x1024xf32> to vector<1024x256xf32>
    %slice3A_20 = vector.extract_strided_slice %add3A_9 {offsets = [0, 768], sizes = [1024, 256], strides = [1, 1]} : vector<1024x1024xf32> to vector<1024x256xf32>
    %convert_element_type3A_21 = arith.truncf %slice3A_19 : vector<1024x256xf32> to vector<1024x256xbf16>
    %bitcast_convert_type3A_22 = tpu.bitcast %convert_element_type3A_21 : vector<1024x256xbf16> -> vector<1024x256xi16>
    %convert_element_type3A_23 = arith.truncf %slice3A_20 : vector<1024x256xf32> to vector<1024x256xbf16>
    %bitcast_convert_type3A_24 = tpu.bitcast %convert_element_type3A_23 : vector<1024x256xbf16> -> vector<1024x256xi16>
    %convert_element_type3A_25 = arith.extui %bitcast_convert_type3A_22 : vector<1024x256xi16> to vector<1024x256xi32>
    %convert_element_type3A_26 = arith.extui %bitcast_convert_type3A_24 : vector<1024x256xi16> to vector<1024x256xi32>
    %shift_left3A_27 = arith.constant 16 : i32
    %shift_left3A_28 = vector.broadcast %shift_left3A_27 : i32 to vector<1024x256xi32>
    %shift_left3A_29 = arith.shli %convert_element_type3A_26, %shift_left3A_28 : vector<1024x256xi32>
    %or3A_30 = arith.ori %convert_element_type3A_25, %shift_left3A_29 : vector<1024x256xi32>
    %swap3A_31 = arith.constant 0 : index
    %swap3A_32 = arith.constant 0 : index
    %swap3A_33 = vector.load %arg5[%swap3A_31, %swap3A_32] : memref<1024x256xi32, #tpu.memory_space<vmem>>, vector<1024x256xi32>
    tpu.vector_store %arg5[%swap3A_31, %swap3A_32], %or3A_30 {strides = array<i32>} : memref<1024x256xi32, #tpu.memory_space<vmem>>, vector<1024x256xi32>,
    return
  }
  func.func @transform_0(%arg0: i32) -> (i32, i32) {
    %c0_i32 = arith.constant 0 : i32
    %c0_i32_0 = arith.constant 0 : i32
    return %arg0, %c0_i32 : i32, i32
  }
  func.func @transform_1(%arg0: i32) -> (i32, i32) {
    %c0_i32 = arith.constant 0 : i32
    %c0_i32_0 = arith.constant 0 : i32
    %c0_i32_1 = arith.constant 0 : i32
    return %c0_i32, %c0_i32_0 : i32, i32
  }
  func.func @transform_2(%arg0: i32) -> (i32, i32) {
    %c0_i32 = arith.constant 0 : i32
    %c0_i32_0 = arith.constant 0 : i32
    %c0_i32_1 = arith.constant 0 : i32
    return %c0_i32, %c0_i32_0 : i32, i32
  }
  func.func @transform_3(%arg0: i32) -> (i32, i32) {
    %c0_i32 = arith.constant 0 : i32
    %c0_i32_0 = arith.constant 0 : i32
    return %arg0, %c0_i32 : i32, i32
  }
  func.func @transform_4(%arg0: i32) -> (i32, i32) {
    %c0_i32 = arith.constant 0 : i32
    %c0_i32_0 = arith.constant 0 : i32
    return %arg0, %c0_i32 : i32, i32
  }
}

</mosaic_0001>

<sc_bundles>
// kernel: kernel.4.cloned.1.call-start
scs
__scs_entry_jumppad:
0x0: {  	(pc) =	sbr.rel $0x88, $3  }
0x1: {  	(tag) =	ssettag $0x0;
	lr =	simm.s32 $0x1  }
0x2: {  	[smem:$0x3F9C] =	sst lr;
	_ =	strace $0xD0000000  }
0x3: {  	_ = 	snop  }
0x4: {  	_ = 	snop  }
0x5: {  	_ = 	snop  }
0x6: {  	_ = 	snop  }
0x7: {  	_ = 	snop  }
__scs_overlays_trampoline_lowered:
0x8: {  	[smem:$0x3FAB] =	sst s0  }
0x9: {  	[smem:$0x3FAC] =	sst s1  }
0xa: {  	[smem:$0x3FAD] =	sst s2  }
0xb: {  	[smem:$0x3FAE] =	sst s3  }
0xc: {  	[smem:$0x3FAF] =	sst s4  }
0xd: {  	[smem:$0x3FB0] =	sst s5  }
0xe: {  	[smem:$0x3FB1] =	sst s6  }
0xf: {  	[smem:$0x3FB2] =	sst s7  }
0x10: {  	[smem:$0x3FB3] =	sst s8  }
0x11: {  	[smem:$0x3FB4] =	sst s9;
	s0 =	simm.s32 @!p0 $0x0  }
0x12: {  	s1 =	sld [smem:$0x3F9A];
	s0 =	simm.s32 @p0 $0x1  }
0x13: {  	[smem:$0x3FB5] =	sst s0;
	s0 =	simm.s32 @!p1 $0x0  }
0x14: {  	s2 =	sld [smem:$0x3F99];
	s0 =	simm.s32 @p1 $0x1  }
0x15: {  	[smem:$0x3FB6] =	sst s0;
	s0 =	simm.s32 @!p2 $0x0  }
0x16: {  	s3 =	sld [smem:$0x3FDB];
	s0 =	simm.s32 @p2 $0x1  }
0x17: {  	s4 =	simm.s32 $0x1BF5;
	[smem:$0x3FB8] =	sst s0  }
0x18: {  	s0 =	sld [smem:$0x3F9B];
	_ =	swait.ge [sflag:s4], $0x0  }
0x19: {  	s7 =	sld [smem:$0x3F9C]  }
0x1a: {  	s8 =	sadd.s32 $0xFFFFE003, lr  }
0x1b: {  	s9 =	sadd.s32 $0xFFFFFEF7, lr;
	s5 =	simm.s32 $0xFFFFFFFF;
	p2 =	slt.u32 s8, $0xFFFFF086  }
0x1c: {  	p1 =	slt.u32 s9, $0xF7A;
	s5 =	simm.s32 @!p2 $0x0  }
0x1d: {  	s5 =	simm.s32 @p1 $0x1;
	p0 =	seq.s32 s7, s2  }
0x1e: {  	s7 =	smul.u32 @!p0 $0xF7A, s2;
	p2 =	seq.s32 @!p0 s5, $0x0  }
0x1f: {  	s9 =	smul.u32 $0xF7A, s1;
	s8 =	simm.s32 @!p0 $0x1BF5;
	p2 =	por !p2, p0  }
0x20: {  	[sflag:s8] =	ssyncset.s32 @!p0 $0xFFFFF086;
	s6 =	sadd.s32 @!p0 s3, s7;
	s7 =	simm.s32 @!p0 $0x108  }
0x21: {  	s3 =	sadd.s32 s3, s9;
	s6 =	sadd.s32 @!p0 $0x88, s6;
	s7 =	simm.s32 @p2 $0x1082  }
0x22: {  	[simem:s7], [sflag:s8] =	dma.local @!p0 [hbm:s6], $0xF7A  }
0x23: {  	s9 =	sor.u32 $0xD0000000, s2;
	s6 =	simm.s32 $0x108;
	_ =	swait.ge @!p0 [sflag:s8], $0x0  }
0x24: {  	s3 =	sadd.s32 $0x88, s3;
	s6 =	simm.s32 @!p1 $0x1082;
	[sflag:s4] =	ssyncset.s32 $0xFFFFF086  }
0x25: {  	[simem:s6], [sflag:s4] =	dma.local [hbm:s3], $0xF7A  }
0x26: {  	[smem:$0x3F9C] =	sst s1;
	(tag) =	ssettag s2;
	_ =	strace s9  }
0x27: {  	s1 =	sld [smem:$0x3FAC]  }
0x28: {  	s2 =	sld [smem:$0x3FAD]  }
0x29: {  	s4 =	sld [smem:$0x3FAF]  }
0x2a: {  	p0 =	seq.s32 s5, $0x0;
	s5 =	sld [smem:$0x3FB0]  }
0x2b: {  	s6 =	sld [smem:$0x3FB1]  }
0x2c: {  	s7 =	sld [smem:$0x3FB2]  }
0x2d: {  	s3 =	simm.s32 $0x108;
	s8 =	sld [smem:$0x3FB3]  }
0x2e: {  	s3 =	simm.s32 @!p0 $0x1082;
	s9 =	sld [smem:$0x3FB4]  }
0x2f: {  	lr =	sadd.s32 s0, s3;
	s0 =	sld [smem:$0x3FAB]  }
0x30: {  	s3 =	sld [smem:$0x3FAE]  }
0x31: {  	[smem:$0x3FB7] =	sst s10  }
0x32: {  	s10 =	sld [smem:$0x3FB5];
	_ =	sdelay $0x3  }
0x33: {  	p0 =	seq.s32 s10, $0x1;
	s10 =	sld [smem:$0x3FB7];
	_ =	sdelay $0x3  }
0x34: {  	[smem:$0x3FB7] =	sst s10  }
0x35: {  	s10 =	sld [smem:$0x3FB6];
	_ =	sdelay $0x3  }
0x36: {  	p1 =	seq.s32 s10, $0x1;
	s10 =	sld [smem:$0x3FB7];
	_ =	sdelay $0x3  }
0x37: {  	[smem:$0x3FB7] =	sst s10  }
0x38: {  	s10 =	sld [smem:$0x3FB8]  }
0x39: {  	_ = 	snop;
	(pc) =	sbr.ind lr, $3  }
0x3a: {  	_ = 	snop  }
0x3b: {  	_ = 	snop  }
0x3c: {  	p2 =	seq.s32 s10, $0x1;
	s10 =	sld [smem:$0x3FB7]  }
0x3d: {  	_ =	shalt  }
0x3e: {  	_ =	shalt  }
0x3f: {  	_ =	shalt  }
0x40: {  	_ =	shalt  }
0x41: {  	_ =	shalt  }
0x42: {  	_ =	shalt  }
0x43: {  	_ =	shalt  }
0x44: {  	_ =	shalt  }
0x45: {  	_ =	shalt  }
0x46: {  	_ =	shalt  }
0x47: {  	_ =	shalt  }
0x48: {  	_ =	shalt  }
0x49: {  	_ =	shalt  }
0x4a: {  	_ =	shalt  }
0x4b: {  	_ =	shalt  }
0x4c: {  	_ =	shalt  }
0x4d: {  	_ =	shalt  }
0x4e: {  	_ =	shalt  }
0x4f: {  	_ =	shalt  }
0x50: {  	_ =	shalt  }
0x51: {  	_ =	shalt  }
0x52: {  	_ =	shalt  }
0x53: {  	_ =	shalt  }
0x54: {  	_ =	shalt  }
0x55: {  	_ =	shalt  }
0x56: {  	_ =	shalt  }
0x57: {  	_ =	shalt  }
0x58: {  	_ =	shalt  }
0x59: {  	_ =	shalt  }
0x5a: {  	_ =	shalt  }
0x5b: {  	_ =	shalt  }
0x5c: {  	_ =	shalt  }
0x5d: {  	_ =	shalt  }
0x5e: {  	_ =	shalt  }
0x5f: {  	_ =	shalt  }
0x60: {  	_ =	shalt  }
0x61: {  	_ =	shalt  }
0x62: {  	_ =	shalt  }
0x63: {  	_ =	shalt  }
0x64: {  	_ =	shalt  }
0x65: {  	_ =	shalt  }
0x66: {  	_ =	shalt  }
0x67: {  	_ =	shalt  }
0x68: {  	_ =	shalt  }
0x69: {  	_ =	shalt  }
0x6a: {  	_ =	shalt  }
0x6b: {  	_ =	shalt  }
0x6c: {  	_ =	shalt  }
0x6d: {  	_ =	shalt  }
0x6e: {  	_ =	shalt  }
0x6f: {  	_ =	shalt  }
0x70: {  	_ =	shalt  }
0x71: {  	_ =	shalt  }
0x72: {  	_ =	shalt  }
0x73: {  	_ =	shalt  }
0x74: {  	_ =	shalt  }
0x75: {  	_ =	shalt  }
0x76: {  	_ =	shalt  }
0x77: {  	_ =	shalt  }
0x78: {  	_ =	shalt  }
0x79: {  	_ =	shalt  }
0x7a: {  	_ =	shalt  }
0x7b: {  	_ =	shalt  }
0x7c: {  	_ =	shalt  }
0x7d: {  	_ =	shalt  }
0x7e: {  	_ =	shalt  }
0x7f: {  	_ =	shalt  }
0x80: {  	_ =	shalt  }
0x81: {  	_ =	shalt  }
0x82: {  	_ =	shalt  }
0x83: {  	_ =	shalt  }
0x84: {  	_ =	shalt  }
0x85: {  	_ =	shalt  }
0x86: {  	_ =	shalt  }
0x87: {  	_ =	shalt  }
.Lfunc_end0:
.L_simem_size_0:
called_computation_lowered:
.L_overlay_start_0:
0x88: {  	s2 =	sld [smem:$0x3FD9]  }
0x89: {  	s3 =	sld [smem:$0x3FFE];
	_ =	sdelay $0x1  }
0x8a: {  	s1 =	srdreg.scid  }
0x8b: {  	s0 =	sand.u32 $0x1, s1  }
0x8c: {  	s17 =	sshll.u32 s0, $0xA;
	s2 =	sadd.s32 s3, s2  }
0x8d: {  	s2 =	sadd.s32 s2, s17  }
0x8e: {  	[smem:$0x3FC3] =	sst s2  }
0x8f: {  	_ = 	snop  }
0x90: {  	s2 =	sld [smem:$0x3FD0];
	(tm) =	ssettm $0x1  }
0x91: {  	s18 =	sld [smem:$0x3FFB];
	_ =	sdelay $0x3  }
0x92: {  	_ =	strace s18  }
0x93: {  	s3 =	sld [smem:$0x3FFC];
	_ =	sdelay $0x3  }
0x94: {  	_ =	strace s3  }
0x95: {  	s3 =	sld [smem:$0x3FFD];
	_ =	sdelay $0x3  }
0x96: {  	_ =	strace s3  }
0x97: {  	_ =	strace $0x8FFFFFFF  }
0x98: {  	s19 =	sld [smem:$0x3FDB];
	_ =	sdelay $0x1  }
0x99: {  	s4 =	simm.s32 $_scs_section_size  }
0x9a: {  	s5 =	simm.s32 $_size__tile_overlayer_lowered;
	s6 =	simm.s32 $_tile_overlayer_lowered  }
0x9b: {  	s22 =	simm.s32 $0x1BFF;
	s21 =	sshll.u32 s6, $0x1;
	s3 =	sadd.s32 s4, s19  }
0x9c: {  	s7 =	simm.s32 $0x0;
	s20 =	sshll.u32 s5, $0x1;
	s5 =	sadd.s32 s21, s3  }
0x9d: {  	[timem:s7], [sflag:s22] =	dma.local [hbm:s5], s20  }
0x9e: {  	_ =	swait.ge [sflag:s22], s20  }
0x9f: {  	s4 =	ssub.s32 $0x0, s20;
	[sflag:s22] =	ssyncset.done $0x0  }
0xa0: {  	[sflag:s22] =	ssyncadd.s32 s4;
	_ =	sdelay $0x1  }
0xa1: {  	s23 =	simm.s32 $0x1B8B  }
0xa2: {  	_ =	swait.ge [sflag:s23], $0x1  }
0xa3: {  	[sflag:s23] =	ssyncset.done $0x0  }
0xa4: {  	s25 =	simm.s32 $0x1B8E;
	s24 =	sld [smem:$0x3FFE];
	[sflag:s23] =	ssyncadd.s32 $0xFFFFFFFF  }
0xa5: {  	s26 =	simm.s32 $execute0_lowered;
	[smem:$0x3FD2] =	sst s25  }
0xa6: {  	s5 =	sshll.u32 s26, $0x1;
	_ =	strace $0x80000046;
	[dreg:$0x1] =	wrdreg $0xFFFFFFFF  }
0xa7: {  	s28 =	simm.s32 $_size_execute0_lowered;
	s3 =	sadd.s32 s3, s5;
	[dreg:$0x0] =	wrdreg $0x0  }
0xa8: {  	s5 =	sshll.u32 s28, $0x1;
	[dreg:$0x2] =	wrdreg s3  }
0xa9: {  	[dreg:$0x3] =	wrdreg s5  }
0xaa: {  	[dreg:$0x4] =	wrdreg $0xC0  }
0xab: {  	_ =	task [dreg:s7], $0x5FFFF  }
0xac: {  	[dreg:$0x1] =	wrdreg $0xFFFFFFFF  }
0xad: {  	[dreg:$0x0] =	wrdreg $0x60  }
0xae: {  	[dreg:$0x2] =	wrdreg s24  }
0xaf: {  	[dreg:$0x3] =	wrdreg s2  }
0xb0: {  	[dreg:$0x4] =	wrdreg $0x9  }
0xb1: {  	_ =	task.clear_ibuf [dreg:s7], $0x5FFFF;
	_ =	strace $0x90000046  }
0xb2: {  	s29 =	simm.s32 $0x9;
	_ =	strace $0x80000048  }
0xb3: {  	_ =	swait.ge [sflag:s29], $0x1  }
0xb4: {  	[sflag:s29] =	ssyncadd.s32 $0xFFFFFFFF  }
0xb5: {  	_ =	strace $0x90000048  }
0xb6: {  	_ =	sfence  }
0xb7: {  	s30 =	sld [smem:$0x0];
	_ =	sdelay $0x2  }
0xb8: {  	s31 =	sshll.u32 s1, $0xD;
	s1 =	sshrl.u32 s1, $0x2  }
0xb9: {  	s3 =	sand.u32 $0x4000, s31;
	s1 =	sadd.s32 s1, s30  }
0xba: {  	s0 =	sor.u32 s3, s0;
	s1 =	sshll.u32 s1, $0x11  }
0xbb: {  	s0 =	sor.u32 s1, s0  }
0xbc: {  	s0 =	sadd.s32 $0x8F2B, s0  }
0xbd: {  	[sflag:s0] =	ssyncadd.remote.s32 $0x1  }
0xbe: {  	_ =	sfence.sel $0xFFFF  }
0xbf: {  	[dreg:$0x0] =	wrdreg $0xFFFFFFFF;
	(pc) =	sbr.abs _section_cstart, $3  }
0xc0: {  	[dreg:$0x1] =	wrdreg $0xFFFFFFFF  }
0xc1: {  	_ =	task.clear_ibuf [dreg:s7], $0x2FFFF;
	_ =	strace $0x9FFFFFFF  }
0xc2: {  	(tm) =	ssettm $0x7FFFFFFF  }
0xc3: {  	_ =	shalt  }
tec
execute0_lowered:
.L_overlay_start_1:
0x0: {  	(tag) =	ssettag $0x1  }
0x1: {  	s0 =	rddreg [dreg:$0x0];
	s1 =	srdreg.scid  }
0x2: {  	s4 =	stileid.u32;
	s5 =	rddreg [dreg:$0x1]  }
0x3: {  	s2 =	simm.s32 $0x0;
	s28 =	simm.s32 $0xA800;
	s29 =	simm.s32 $0xB000  }
0x4: {  	s30 =	simm.s32 $0xB800;
	s31 =	simm.s32 $0xC000;
	s10 =	simm.s32 $0xD800  }
0x5: {  	s11 =	simm.s32 $0x10000;
	s12 =	simm.s32 $0x10800;
	s13 =	simm.s32 $0x11000  }
0x6: {  	s14 =	simm.s32 $0x11800;
	s15 =	simm.s32 $0x12000;
	s16 =	simm.s32 $0x1  }
0x7: {  	s17 =	simm.s32 $0x2;
	s18 =	simm.s32 $0x3;
	s19 =	simm.s32 $0x4  }
0x8: {  	s20 =	simm.s32 $0x200;
	s21 =	simm.s32 $0x400;
	s22 =	simm.s32 $0x12800  }
0x9: {  	s1 =	sand.u32 $0x1, s1;
	s3 =	sshll.u32 s4, $0x1;
	[smem:$0x7FF] =	sst s2  }
0xa: {  	s7 =	smul.u32 $0x5000, s4;
	s4 =	sadd.s32 $0x56600, s0;
	s3 =	sor.u32 s1, s3  }
0xb: {  	_ =	strace $0x80000047;
	s8 =	ssub.s32 $0x2, s1;
	s6 =	smul.u32 $0x280, s3  }
0xc: {  	s1 =	smul.u32 $0x2800, s1;
	s3 =	sadd.s32 $0x1600, s0;
	s24 =	sshrl.u32 s8, $0x1  }
0xd: {  	s9 =	sadd.s32 s6, s0;
	s0 =	sadd.s32 s7, s0;
	s7 =	ssub.s32 s8, s24  }
0xe: {  	s5 =	sadd.s32 s5, s6;
	s6 =	simm.s32 $0xE800;
	s8 =	simm.s32 $0xF800  }
.Ltmp0:
0xf: {  	s24 =	simm.s32 $0x0;
	[dreg:$0x3] =	wrdreg s5;
	(pc) =	sbr.rel .LBB2_1-.Ltmp0, $4  }
0x10: {  	s0 =	sadd.s32 s1, s0;
	s25 =	sadd.s32 $0x51600, s9;
	s26 =	smax.u32 s7, $0x1  }
0x11: {  	v2 =	vlaneseq.u32;
	s9 =	simm.s32 $0x5;
	s1 =	simm.s32 $0xC800;
	[dreg:$0x4] =	wrdreg s25  }
0x12: {  	vm0 =	vmmov $0xffff;
	v1 =	vshrl.u32 v2, $0x3;
	s5 =	simm.s32 $0xE000;
	[dreg:$0x5] =	wrdreg s26;
	s0 =	sadd.s32 $0xA6600, s0  }
0x13: {  	v0 =	vand.u32 $0x7, v2;
	v2 =	vor.u32 $0x8, v2;
	v1 =	vmul.u32 $0x8, v1;
	s7 =	simm.s32 $0xF000;
	[dreg:$0x6] =	wrdreg s0;
	s0 =	simm.s32 $0xD000  }
.LBB2_5:
0x14: {  	s24 =	rddreg [dreg:$0x7]  }
0x15: {  	s23 =	rddreg [dreg:$0x5];
	s24 =	sadd.s32 $0x1, s24  }
0x16: {  	p0 =	sne.s32 s24, s23  }
.Ltmp1:
0x17: {  	_ = 	snop;
	(pc) =	sbr.rel @!p0 .LBB2_6-.Ltmp1, $1  }
0x18: {  	_ =	sdelay $0x3  }
.LBB2_1:
0x19: {  	[dreg:$0x7] =	wrdreg s24  }
0x1a: {  	s23 =	rddreg [dreg:$0x3]  }
0x1b: {  	[tilespmem:s2], [sflag:$0x5] =	stream.linear.gather [hbm4b:s23+s2], $0x1400, $0x38;
	[tilespmem:$0x12C00] =	vst v63  }
0x1c: {  	_ =	swait.ge [sflag:s9], $0x1400  }
0x1d: {  	[sflag:s9] =	ssyncset.done $0x0  }
0x1e: {  	s25 =	simm.s32 $0x1400;
	s24 =	rddreg [dreg:$0x4];
	[sflag:s9] =	ssyncadd.s32 $0xFFFFEC00  }
0x1f: {  	[tilespmem:s25], [sflag:$0x5] =	stream.linear.gather [hbm4b:s24+s2], $0x1400, $0x38;
	[tilespmem:$0x12C00] =	vst v63  }
0x20: {  	_ =	swait.ge [sflag:s9], $0x1400  }
0x21: {  	[sflag:s9] =	ssyncset.done $0x0  }
0x22: {  	[sflag:s9] =	ssyncadd.s32 $0xFFFFEC00  }
0x23: {  	v3 =	vld [tilespmem:$0x0];
	_ =	sdelay $0x4  }
0x24: {  	v4 =	vshll.u32 v3, $0x1  }
0x25: {  	v3 =	vand.u32 $0x7, v3;
	v4 =	vand.u32 $0xFFFFFFF0, v4  }
0x26: {  	v3 =	vor.u32 v3, v4  }
0x27: {  	v4 =	vperm.xlane v3, v0;
	_ =	sdelay $0x1  }
0x28: {  	v3 =	vperm.xlane v3, v2;
	v4 =	vadd.s32 v1, v4;
	_ =	sdelay $0x1  }
0x29: {  	v3 =	vadd.s32 v1, v3;
	_ =	sdelay $0x1  }
0x2a: {  	s26 =	simm.s32 $0x2800  }
0x2b: {  	[tilespmem:s26], [sflag:$0x1] =	stream.indirect_vreg.gather [hbm4b:s3+s2], $0x80, v4, vm0, $0xb8;
	[tilespmem:$0x12C00] =	vst v63  }
0x2c: {  	s24 =	simm.s32 $0x3000  }
0x2d: {  	[tilespmem:s24], [sflag:$0x1] =	stream.indirect_vreg.gather [hbm4b:s3+s2], $0x80, v3, vm0, $0xb8;
	[tilespmem:$0x12C00] =	vst v63  }
0x2e: {  	v3 =	vld [tilespmem:$0x10];
	_ =	sdelay $0x4  }
0x2f: {  	v57 =	vshll.u32 v3, $0x1  }
0x30: {  	v3 =	vand.u32 $0x7, v3;
	v4 =	vand.u32 $0xFFFFFFF0, v57  }
0x31: {  	v3 =	vor.u32 v3, v4  }
0x32: {  	v4 =	vperm.xlane v3, v0;
	_ =	sdelay $0x1  }
0x33: {  	v3 =	vperm.xlane v3, v2;
	v4 =	vadd.s32 v1, v4;
	_ =	sdelay $0x1  }
0x34: {  	v3 =	vadd.s32 v1, v3;
	_ =	sdelay $0x1  }
0x35: {  	s25 =	simm.s32 $0x3800  }
0x36: {  	[tilespmem:s25], [sflag:$0x1] =	stream.indirect_vreg.gather [hbm4b:s3+s2], $0x80, v4, vm0, $0xb8;
	[tilespmem:$0x12C00] =	vst v63  }
0x37: {  	s26 =	simm.s32 $0x4000  }
0x38: {  	[tilespmem:s26], [sflag:$0x1] =	stream.indirect_vreg.gather [hbm4b:s3+s2], $0x80, v3, vm0, $0xb8;
	[tilespmem:$0x12C00] =	vst v63  }
0x39: {  	v3 =	vld [tilespmem:$0x20];
	_ =	sdelay $0x4  }
0x3a: {  	v58 =	vshll.u32 v3, $0x1  }
0x3b: {  	v3 =	vand.u32 $0x7, v3;
	v4 =	vand.u32 $0xFFFFFFF0, v58  }
0x3c: {  	v3 =	vor.u32 v3, v4  }
0x3d: {  	v4 =	vperm.xlane v3, v0;
	_ =	sdelay $0x1  }
0x3e: {  	v3 =	vperm.xlane v3, v2;
	v4 =	vadd.s32 v1, v4;
	_ =	sdelay $0x1  }
0x3f: {  	v3 =	vadd.s32 v1, v3;
	_ =	sdelay $0x1  }
0x40: {  	s24 =	simm.s32 $0x4800  }
0x41: {  	[tilespmem:s24], [sflag:$0x1] =	stream.indirect_vreg.gather [hbm4b:s3+s2], $0x80, v4, vm0, $0xb8;
	[tilespmem:$0x12C00] =	vst v63  }
0x42: {  	s25 =	simm.s32 $0x5000  }
0x43: {  	[tilespmem:s25], [sflag:$0x1] =	stream.indirect_vreg.gather [hbm4b:s3+s2], $0x80, v3, vm0, $0xb8;
	[tilespmem:$0x12C00] =	vst v63  }
0x44: {  	v3 =	vld [tilespmem:$0x30];
	_ =	sdelay $0x4  }
0x45: {  	v59 =	vshll.u32 v3, $0x1  }
0x46: {  	v3 =	vand.u32 $0x7, v3;
	v4 =	vand.u32 $0xFFFFFFF0, v59  }
0x47: {  	v3 =	vor.u32 v3, v4  }
0x48: {  	v4 =	vperm.xlane v3, v0;
	_ =	sdelay $0x1  }
0x49: {  	v3 =	vperm.xlane v3, v2;
	v4 =	vadd.s32 v1, v4;
	_ =	sdelay $0x1  }
0x4a: {  	v3 =	vadd.s32 v1, v3;
	_ =	sdelay $0x1  }
0x4b: {  	s26 =	simm.s32 $0x5800  }
0x4c: {  	[tilespmem:s26], [sflag:$0x1] =	stream.indirect_vreg.gather [hbm4b:s3+s2], $0x80, v4, vm0, $0xb8;
	[tilespmem:$0x12C00] =	vst v63  }
0x4d: {  	s24 =	simm.s32 $0x6000  }
0x4e: {  	[tilespmem:s24], [sflag:$0x1] =	stream.indirect_vreg.gather [hbm4b:s3+s2], $0x80, v3, vm0, $0xb8;
	[tilespmem:$0x12C00] =	vst v63  }
0x4f: {  	v3 =	vld [tilespmem:$0x1400];
	_ =	sdelay $0x4  }
0x50: {  	v60 =	vshll.u32 v3, $0x1  }
0x51: {  	v3 =	vand.u32 $0x7, v3;
	v4 =	vand.u32 $0xFFFFFFF0, v60  }
0x52: {  	v3 =	vor.u32 v3, v4  }
0x53: {  	v4 =	vperm.xlane v3, v0;
	_ =	sdelay $0x1  }
0x54: {  	v3 =	vperm.xlane v3, v2;
	v4 =	vadd.s32 v1, v4;
	_ =	sdelay $0x1  }
0x55: {  	v3 =	vadd.s32 v1, v3;
	_ =	sdelay $0x1  }
0x56: {  	s25 =	simm.s32 $0x6800  }
0x57: {  	[tilespmem:s25], [sflag:$0x2] =	stream.indirect_vreg.gather [hbm4b:s4+s2], $0x80, v4, vm0, $0xb8;
	[tilespmem:$0x12C00] =	vst v63  }
0x58: {  	s26 =	simm.s32 $0x7000  }
0x59: {  	[tilespmem:s26], [sflag:$0x2] =	stream.indirect_vreg.gather [hbm4b:s4+s2], $0x80, v3, vm0, $0xb8;
	[tilespmem:$0x12C00] =	vst v63  }
0x5a: {  	v3 =	vld [tilespmem:$0x1410];
	_ =	sdelay $0x4  }
0x5b: {  	v61 =	vshll.u32 v3, $0x1  }
0x5c: {  	v3 =	vand.u32 $0x7, v3;
	v4 =	vand.u32 $0xFFFFFFF0, v61  }
0x5d: {  	v3 =	vor.u32 v3, v4  }
0x5e: {  	v4 =	vperm.xlane v3, v0;
	_ =	sdelay $0x1  }
0x5f: {  	v3 =	vperm.xlane v3, v2;
	v4 =	vadd.s32 v1, v4;
	_ =	sdelay $0x1  }
0x60: {  	v3 =	vadd.s32 v1, v3;
	_ =	sdelay $0x1  }
0x61: {  	s24 =	simm.s32 $0x7800  }
0x62: {  	[tilespmem:s24], [sflag:$0x2] =	stream.indirect_vreg.gather [hbm4b:s4+s2], $0x80, v4, vm0, $0xb8;
	[tilespmem:$0x12C00] =	vst v63  }
0x63: {  	s25 =	simm.s32 $0x8000  }
0x64: {  	[tilespmem:s25], [sflag:$0x2] =	stream.indirect_vreg.gather [hbm4b:s4+s2], $0x80, v3, vm0, $0xb8;
	[tilespmem:$0x12C00] =	vst v63  }
0x65: {  	v3 =	vld [tilespmem:$0x1420];
	_ =	sdelay $0x4  }
0x66: {  	v62 =	vshll.u32 v3, $0x1  }
0x67: {  	v3 =	vand.u32 $0x7, v3;
	v4 =	vand.u32 $0xFFFFFFF0, v62  }
0x68: {  	v3 =	vor.u32 v3, v4  }
0x69: {  	v4 =	vperm.xlane v3, v0;
	_ =	sdelay $0x1  }
0x6a: {  	v3 =	vperm.xlane v3, v2;
	v4 =	vadd.s32 v1, v4;
	_ =	sdelay $0x1  }
0x6b: {  	v3 =	vadd.s32 v1, v3;
	_ =	sdelay $0x1  }
0x6c: {  	s26 =	simm.s32 $0x8800  }
0x6d: {  	[tilespmem:s26], [sflag:$0x2] =	stream.indirect_vreg.gather [hbm4b:s4+s2], $0x80, v4, vm0, $0xb8;
	[tilespmem:$0x12C00] =	vst v63  }
0x6e: {  	s24 =	simm.s32 $0x9000  }
0x6f: {  	[tilespmem:s24], [sflag:$0x2] =	stream.indirect_vreg.gather [hbm4b:s4+s2], $0x80, v3, vm0, $0xb8;
	[tilespmem:$0x12C00] =	vst v63  }
0x70: {  	v3 =	vld [tilespmem:$0x1430];
	_ =	sdelay $0x4  }
0x71: {  	v63 =	vshll.u32 v3, $0x1  }
0x72: {  	v3 =	vand.u32 $0x7, v3;
	v4 =	vand.u32 $0xFFFFFFF0, v63  }
0x73: {  	v3 =	vor.u32 v3, v4  }
0x74: {  	v4 =	vperm.xlane v3, v0;
	_ =	sdelay $0x1  }
0x75: {  	v3 =	vperm.xlane v3, v2;
	v4 =	vadd.s32 v1, v4;
	_ =	sdelay $0x1  }
0x76: {  	v3 =	vadd.s32 v1, v3  }
.Ltmp2:
0x77: {  	_ = 	snop;
	(pc) =	sbr.rel .LBB2_2-.Ltmp2, $4  }
0x78: {  	s25 =	simm.s32 $0x9800  }
0x79: {  	[tilespmem:s25], [sflag:$0x2] =	stream.indirect_vreg.gather [hbm4b:s4+s2], $0x80, v4, vm0, $0xb8;
	[tilespmem:$0x12C00] =	vst v63  }
0x7a: {  	s23 =	rddreg [dreg:$0x6];
	s26 =	simm.s32 $0xA000;
	s24 =	simm.s32 $0x0  }
0x7b: {  	[tilespmem:s26], [sflag:$0x2] =	stream.indirect_vreg.gather [hbm4b:s4+s2], $0x80, v3, vm0, $0xb8;
	[tilespmem:$0x12C00] =	vst v63  }
.LBB2_4:
0x7c: {  	_ =	swait.ge [sflag:s18], $0x4000  }
0x7d: {  	[sflag:s18] =	ssyncset.done $0x0  }
0x7e: {  	[sflag:s18] =	ssyncadd.s32 $0xFFFFC000  }
0x7f: {  	s24 =	sadd.s32 $0x200, s24;
	_ =	swait.ge [sflag:s19], $0x4000  }
0x80: {  	p0 =	sne.s32 s24, $0x5000;
	[sflag:s19] =	ssyncset.done $0x0  }
.Ltmp3:
0x81: {  	[sflag:s19] =	ssyncadd.s32 $0xFFFFC000;
	(pc) =	sbr.rel @!p0 .LBB2_5-.Ltmp3, $4  }
0x82: {  	[hbm4b:s23+s20] =	stream.strided.scatter [tilespmem:s22], [sflag:$0x5], $0x400, s21, s20, $0x38;
	[tilespmem:$0x12C00] =	vst v63  }
0x83: {  	_ =	swait.ge [sflag:s9], $0x400  }
0x84: {  	[sflag:s9] =	ssyncset.done $0x0  }
0x85: {  	s23 =	sadd.s32 $0x100, s23;
	[sflag:s9] =	ssyncadd.s32 $0xFFFFFC00  }
.LBB2_2:
0x86: {  	s25 =	sshra.s32 s24, $0x2  }
0x87: {  	v3 =	vld [tilespmem:s25+$0x40];
	_ =	sdelay $0x4  }
0x88: {  	v4 =	vshll.u32 v3, $0x1  }
0x89: {  	v3 =	vand.u32 $0x7, v3;
	v4 =	vand.u32 $0xFFFFFFF0, v4  }
0x8a: {  	v3 =	vor.u32 v3, v4  }
0x8b: {  	v4 =	vperm.xlane v3, v0;
	_ =	sdelay $0x1  }
0x8c: {  	v3 =	vperm.xlane v3, v2;
	v4 =	vadd.s32 v1, v4;
	_ =	sdelay $0x1  }
0x8d: {  	v3 =	vadd.s32 v1, v3;
	_ =	sdelay $0x2  }
0x8e: {  	[tilespmem:s28], [sflag:$0x3] =	stream.indirect_vreg.gather [hbm4b:s3+s2], $0x80, v4, vm0, $0xb8;
	[tilespmem:$0x12C00] =	vst v63  }
0x8f: {  	_ = 	snop  }
0x90: {  	[tilespmem:s29], [sflag:$0x3] =	stream.indirect_vreg.gather [hbm4b:s3+s2], $0x80, v3, vm0, $0xb8;
	[tilespmem:$0x12C00] =	vst v63  }
0x91: {  	v3 =	vld [tilespmem:s25+$0x50];
	_ =	sdelay $0x4  }
0x92: {  	v57 =	vshll.u32 v3, $0x1  }
0x93: {  	v3 =	vand.u32 $0x7, v3;
	v4 =	vand.u32 $0xFFFFFFF0, v57  }
0x94: {  	v3 =	vor.u32 v3, v4  }
0x95: {  	v4 =	vperm.xlane v3, v0;
	_ =	sdelay $0x1  }
0x96: {  	v3 =	vperm.xlane v3, v2;
	v4 =	vadd.s32 v1, v4;
	_ =	sdelay $0x1  }
0x97: {  	v3 =	vadd.s32 v1, v3;
	_ =	sdelay $0x2  }
0x98: {  	[tilespmem:s30], [sflag:$0x3] =	stream.indirect_vreg.gather [hbm4b:s3+s2], $0x80, v4, vm0, $0xb8;
	[tilespmem:$0x12C00] =	vst v63  }
0x99: {  	_ = 	snop  }
0x9a: {  	[tilespmem:s31], [sflag:$0x3] =	stream.indirect_vreg.gather [hbm4b:s3+s2], $0x80, v3, vm0, $0xb8;
	[tilespmem:$0x12C00] =	vst v63  }
0x9b: {  	v3 =	vld [tilespmem:s25+$0x60];
	_ =	sdelay $0x4  }
0x9c: {  	v58 =	vshll.u32 v3, $0x1  }
0x9d: {  	v3 =	vand.u32 $0x7, v3;
	v4 =	vand.u32 $0xFFFFFFF0, v58  }
0x9e: {  	v3 =	vor.u32 v3, v4  }
0x9f: {  	v4 =	vperm.xlane v3, v0;
	_ =	sdelay $0x1  }
0xa0: {  	v3 =	vperm.xlane v3, v2;
	v4 =	vadd.s32 v1, v4;
	_ =	sdelay $0x1  }
0xa1: {  	v3 =	vadd.s32 v1, v3;
	_ =	sdelay $0x2  }
0xa2: {  	[tilespmem:s1], [sflag:$0x3] =	stream.indirect_vreg.gather [hbm4b:s3+s2], $0x80, v4, vm0, $0xb8;
	[tilespmem:$0x12C00] =	vst v63  }
0xa3: {  	_ = 	snop  }
0xa4: {  	[tilespmem:s0], [sflag:$0x3] =	stream.indirect_vreg.gather [hbm4b:s3+s2], $0x80, v3, vm0, $0xb8;
	[tilespmem:$0x12C00] =	vst v63  }
0xa5: {  	v3 =	vld [tilespmem:s25+$0x70];
	_ =	sdelay $0x4  }
0xa6: {  	v59 =	vshll.u32 v3, $0x1  }
0xa7: {  	v3 =	vand.u32 $0x7, v3;
	v4 =	vand.u32 $0xFFFFFFF0, v59  }
0xa8: {  	v3 =	vor.u32 v3, v4  }
0xa9: {  	v4 =	vperm.xlane v3, v0;
	_ =	sdelay $0x1  }
0xaa: {  	v3 =	vperm.xlane v3, v2;
	v4 =	vadd.s32 v1, v4;
	_ =	sdelay $0x1  }
0xab: {  	v3 =	vadd.s32 v1, v3;
	_ =	sdelay $0x2  }
0xac: {  	[tilespmem:s10], [sflag:$0x3] =	stream.indirect_vreg.gather [hbm4b:s3+s2], $0x80, v4, vm0, $0xb8;
	[tilespmem:$0x12C00] =	vst v63  }
0xad: {  	_ = 	snop  }
0xae: {  	[tilespmem:s5], [sflag:$0x3] =	stream.indirect_vreg.gather [hbm4b:s3+s2], $0x80, v3, vm0, $0xb8;
	[tilespmem:$0x12C00] =	vst v63  }
0xaf: {  	v3 =	vld [tilespmem:s25+$0x1440];
	_ =	sdelay $0x4  }
0xb0: {  	v60 =	vshll.u32 v3, $0x1  }
0xb1: {  	v3 =	vand.u32 $0x7, v3;
	v4 =	vand.u32 $0xFFFFFFF0, v60  }
0xb2: {  	v3 =	vor.u32 v3, v4  }
0xb3: {  	v4 =	vperm.xlane v3, v0;
	_ =	sdelay $0x1  }
0xb4: {  	v3 =	vperm.xlane v3, v2;
	v4 =	vadd.s32 v1, v4;
	_ =	sdelay $0x1  }
0xb5: {  	v3 =	vadd.s32 v1, v3;
	_ =	sdelay $0x2  }
0xb6: {  	[tilespmem:s6], [sflag:$0x4] =	stream.indirect_vreg.gather [hbm4b:s4+s2], $0x80, v4, vm0, $0xb8;
	[tilespmem:$0x12C00] =	vst v63  }
0xb7: {  	_ = 	snop  }
0xb8: {  	[tilespmem:s7], [sflag:$0x4] =	stream.indirect_vreg.gather [hbm4b:s4+s2], $0x80, v3, vm0, $0xb8;
	[tilespmem:$0x12C00] =	vst v63  }
0xb9: {  	v3 =	vld [tilespmem:s25+$0x1450];
	_ =	sdelay $0x4  }
0xba: {  	v61 =	vshll.u32 v3, $0x1  }
0xbb: {  	v3 =	vand.u32 $0x7, v3;
	v4 =	vand.u32 $0xFFFFFFF0, v61  }
0xbc: {  	v3 =	vor.u32 v3, v4  }
0xbd: {  	v4 =	vperm.xlane v3, v0;
	_ =	sdelay $0x1  }
0xbe: {  	v3 =	vperm.xlane v3, v2;
	v4 =	vadd.s32 v1, v4;
	_ =	sdelay $0x1  }
0xbf: {  	v3 =	vadd.s32 v1, v3;
	_ =	sdelay $0x2  }
0xc0: {  	[tilespmem:s8], [sflag:$0x4] =	stream.indirect_vreg.gather [hbm4b:s4+s2], $0x80, v4, vm0, $0xb8;
	[tilespmem:$0x12C00] =	vst v63  }
0xc1: {  	_ = 	snop  }
0xc2: {  	[tilespmem:s11], [sflag:$0x4] =	stream.indirect_vreg.gather [hbm4b:s4+s2], $0x80, v3, vm0, $0xb8;
	[tilespmem:$0x12C00] =	vst v63  }
0xc3: {  	v3 =	vld [tilespmem:s25+$0x1460];
	_ =	sdelay $0x4  }
0xc4: {  	v62 =	vshll.u32 v3, $0x1  }
0xc5: {  	v3 =	vand.u32 $0x7, v3;
	v4 =	vand.u32 $0xFFFFFFF0, v62  }
0xc6: {  	v3 =	vor.u32 v3, v4  }
0xc7: {  	v4 =	vperm.xlane v3, v0;
	_ =	sdelay $0x1  }
0xc8: {  	v3 =	vperm.xlane v3, v2;
	v4 =	vadd.s32 v1, v4;
	_ =	sdelay $0x1  }
0xc9: {  	v3 =	vadd.s32 v1, v3;
	_ =	sdelay $0x2  }
0xca: {  	[tilespmem:s12], [sflag:$0x4] =	stream.indirect_vreg.gather [hbm4b:s4+s2], $0x80, v4, vm0, $0xb8;
	[tilespmem:$0x12C00] =	vst v63  }
0xcb: {  	_ = 	snop  }
0xcc: {  	[tilespmem:s13], [sflag:$0x4] =	stream.indirect_vreg.gather [hbm4b:s4+s2], $0x80, v3, vm0, $0xb8;
	[tilespmem:$0x12C00] =	vst v63  }
0xcd: {  	v3 =	vld [tilespmem:s25+$0x1470];
	_ =	sdelay $0x4  }
0xce: {  	v63 =	vshll.u32 v3, $0x1  }
0xcf: {  	v3 =	vand.u32 $0x7, v3;
	v4 =	vand.u32 $0xFFFFFFF0, v63  }
0xd0: {  	v3 =	vor.u32 v3, v4  }
0xd1: {  	v4 =	vperm.xlane v3, v0;
	_ =	sdelay $0x1  }
0xd2: {  	v3 =	vperm.xlane v3, v2;
	v4 =	vadd.s32 v1, v4;
	_ =	sdelay $0x1  }
0xd3: {  	v3 =	vadd.s32 v1, v3;
	_ =	sdelay $0x2  }
0xd4: {  	[tilespmem:s14], [sflag:$0x4] =	stream.indirect_vreg.gather [hbm4b:s4+s2], $0x80, v4, vm0, $0xb8;
	[tilespmem:$0x12C00] =	vst v63  }
0xd5: {  	_ = 	snop  }
0xd6: {  	[tilespmem:s15], [sflag:$0x4] =	stream.indirect_vreg.gather [hbm4b:s4+s2], $0x80, v3, vm0, $0xb8;
	[tilespmem:$0x12C00] =	vst v63  }
0xd7: {  	p0 =	seq.s32 s24, $0x4E00;
	_ =	swait.ge [sflag:s16], $0x4000  }
.Ltmp4:
0xd8: {  	[sflag:s16] =	ssyncset.done $0x0;
	(pc) =	sbr.rel @p0 .LBB2_4-.Ltmp4, $4  }
0xd9: {  	[sflag:s16] =	ssyncadd.s32 $0xFFFFC000  }
0xda: {  	_ =	swait.ge [sflag:s17], $0x4000  }
0xdb: {  	[sflag:s17] =	ssyncset.done $0x0  }
0xdc: {  	[sflag:s17] =	ssyncadd.s32 $0xFFFFC000  }
0xdd: {  	v3 =	vld [tilespmem:s25+$0x80];
	_ =	sdelay $0x4  }
0xde: {  	v4 =	vshll.u32 v3, $0x1  }
0xdf: {  	v3 =	vand.u32 $0x7, v3;
	v4 =	vand.u32 $0xFFFFFFF0, v4  }
0xe0: {  	v3 =	vor.u32 v3, v4  }
0xe1: {  	v4 =	vperm.xlane v3, v0;
	_ =	sdelay $0x1  }
0xe2: {  	v3 =	vperm.xlane v3, v2;
	v4 =	vadd.s32 v1, v4;
	_ =	sdelay $0x1  }
0xe3: {  	v3 =	vadd.s32 v1, v3;
	_ =	sdelay $0x1  }
0xe4: {  	s26 =	simm.s32 $0x2800  }
0xe5: {  	[tilespmem:s26], [sflag:$0x1] =	stream.indirect_vreg.gather [hbm4b:s3+s2], $0x80, v4, vm0, $0xb8;
	[tilespmem:$0x12C00] =	vst v63  }
0xe6: {  	s26 =	simm.s32 $0x3000  }
0xe7: {  	[tilespmem:s26], [sflag:$0x1] =	stream.indirect_vreg.gather [hbm4b:s3+s2], $0x80, v3, vm0, $0xb8;
	[tilespmem:$0x12C00] =	vst v63  }
0xe8: {  	v3 =	vld [tilespmem:s25+$0x90];
	_ =	sdelay $0x4  }
0xe9: {  	v57 =	vshll.u32 v3, $0x1  }
0xea: {  	v3 =	vand.u32 $0x7, v3;
	v4 =	vand.u32 $0xFFFFFFF0, v57  }
0xeb: {  	v3 =	vor.u32 v3, v4  }
0xec: {  	v4 =	vperm.xlane v3, v0;
	_ =	sdelay $0x1  }
0xed: {  	v3 =	vperm.xlane v3, v2;
	v4 =	vadd.s32 v1, v4;
	_ =	sdelay $0x1  }
0xee: {  	v3 =	vadd.s32 v1, v3;
	_ =	sdelay $0x1  }
0xef: {  	s26 =	simm.s32 $0x3800  }
0xf0: {  	[tilespmem:s26], [sflag:$0x1] =	stream.indirect_vreg.gather [hbm4b:s3+s2], $0x80, v4, vm0, $0xb8;
	[tilespmem:$0x12C00] =	vst v63  }
0xf1: {  	s26 =	simm.s32 $0x4000  }
0xf2: {  	[tilespmem:s26], [sflag:$0x1] =	stream.indirect_vreg.gather [hbm4b:s3+s2], $0x80, v3, vm0, $0xb8;
	[tilespmem:$0x12C00] =	vst v63  }
0xf3: {  	v3 =	vld [tilespmem:s25+$0xA0];
	_ =	sdelay $0x4  }
0xf4: {  	v58 =	vshll.u32 v3, $0x1  }
0xf5: {  	v3 =	vand.u32 $0x7, v3;
	v4 =	vand.u32 $0xFFFFFFF0, v58  }
0xf6: {  	v3 =	vor.u32 v3, v4  }
0xf7: {  	v4 =	vperm.xlane v3, v0;
	_ =	sdelay $0x1  }
0xf8: {  	v3 =	vperm.xlane v3, v2;
	v4 =	vadd.s32 v1, v4;
	_ =	sdelay $0x1  }
0xf9: {  	v3 =	vadd.s32 v1, v3;
	_ =	sdelay $0x1  }
0xfa: {  	s26 =	simm.s32 $0x4800  }
0xfb: {  	[tilespmem:s26], [sflag:$0x1] =	stream.indirect_vreg.gather [hbm4b:s3+s2], $0x80, v4, vm0, $0xb8;
	[tilespmem:$0x12C00] =	vst v63  }
0xfc: {  	s26 =	simm.s32 $0x5000  }
0xfd: {  	[tilespmem:s26], [sflag:$0x1] =	stream.indirect_vreg.gather [hbm4b:s3+s2], $0x80, v3, vm0, $0xb8;
	[tilespmem:$0x12C00] =	vst v63  }
0xfe: {  	v3 =	vld [tilespmem:s25+$0xB0];
	_ =	sdelay $0x4  }
0xff: {  	v59 =	vshll.u32 v3, $0x1  }
0x100: {  	v3 =	vand.u32 $0x7, v3;
	v4 =	vand.u32 $0xFFFFFFF0, v59  }
0x101: {  	v3 =	vor.u32 v3, v4  }
0x102: {  	v4 =	vperm.xlane v3, v0;
	_ =	sdelay $0x1  }
0x103: {  	v3 =	vperm.xlane v3, v2;
	v4 =	vadd.s32 v1, v4;
	_ =	sdelay $0x1  }
0x104: {  	v3 =	vadd.s32 v1, v3;
	_ =	sdelay $0x1  }
0x105: {  	s26 =	simm.s32 $0x5800  }
0x106: {  	[tilespmem:s26], [sflag:$0x1] =	stream.indirect_vreg.gather [hbm4b:s3+s2], $0x80, v4, vm0, $0xb8;
	[tilespmem:$0x12C00] =	vst v63  }
0x107: {  	s26 =	simm.s32 $0x6000  }
0x108: {  	[tilespmem:s26], [sflag:$0x1] =	stream.indirect_vreg.gather [hbm4b:s3+s2], $0x80, v3, vm0, $0xb8;
	[tilespmem:$0x12C00] =	vst v63  }
0x109: {  	v3 =	vld [tilespmem:s25+$0x1480];
	_ =	sdelay $0x4  }
0x10a: {  	v60 =	vshll.u32 v3, $0x1  }
0x10b: {  	v3 =	vand.u32 $0x7, v3;
	v4 =	vand.u32 $0xFFFFFFF0, v60  }
0x10c: {  	v3 =	vor.u32 v3, v4  }
0x10d: {  	v4 =	vperm.xlane v3, v0;
	_ =	sdelay $0x1  }
0x10e: {  	v3 =	vperm.xlane v3, v2;
	v4 =	vadd.s32 v1, v4;
	_ =	sdelay $0x1  }
0x10f: {  	v3 =	vadd.s32 v1, v3;
	_ =	sdelay $0x1  }
0x110: {  	s26 =	simm.s32 $0x6800  }
0x111: {  	[tilespmem:s26], [sflag:$0x2] =	stream.indirect_vreg.gather [hbm4b:s4+s2], $0x80, v4, vm0, $0xb8;
	[tilespmem:$0x12C00] =	vst v63  }
0x112: {  	s26 =	simm.s32 $0x7000  }
0x113: {  	[tilespmem:s26], [sflag:$0x2] =	stream.indirect_vreg.gather [hbm4b:s4+s2], $0x80, v3, vm0, $0xb8;
	[tilespmem:$0x12C00] =	vst v63  }
0x114: {  	v3 =	vld [tilespmem:s25+$0x1490];
	_ =	sdelay $0x4  }
0x115: {  	v61 =	vshll.u32 v3, $0x1  }
0x116: {  	v3 =	vand.u32 $0x7, v3;
	v4 =	vand.u32 $0xFFFFFFF0, v61  }
0x117: {  	v3 =	vor.u32 v3, v4  }
0x118: {  	v4 =	vperm.xlane v3, v0;
	_ =	sdelay $0x1  }
0x119: {  	v3 =	vperm.xlane v3, v2;
	v4 =	vadd.s32 v1, v4;
	_ =	sdelay $0x1  }
0x11a: {  	v3 =	vadd.s32 v1, v3;
	_ =	sdelay $0x1  }
0x11b: {  	s26 =	simm.s32 $0x7800  }
0x11c: {  	[tilespmem:s26], [sflag:$0x2] =	stream.indirect_vreg.gather [hbm4b:s4+s2], $0x80, v4, vm0, $0xb8;
	[tilespmem:$0x12C00] =	vst v63  }
0x11d: {  	s26 =	simm.s32 $0x8000  }
0x11e: {  	[tilespmem:s26], [sflag:$0x2] =	stream.indirect_vreg.gather [hbm4b:s4+s2], $0x80, v3, vm0, $0xb8;
	[tilespmem:$0x12C00] =	vst v63  }
0x11f: {  	v3 =	vld [tilespmem:s25+$0x14A0];
	_ =	sdelay $0x4  }
0x120: {  	v62 =	vshll.u32 v3, $0x1  }
0x121: {  	v3 =	vand.u32 $0x7, v3;
	v4 =	vand.u32 $0xFFFFFFF0, v62  }
0x122: {  	v3 =	vor.u32 v3, v4  }
0x123: {  	v4 =	vperm.xlane v3, v0;
	_ =	sdelay $0x1  }
0x124: {  	v3 =	vperm.xlane v3, v2;
	v4 =	vadd.s32 v1, v4;
	_ =	sdelay $0x1  }
0x125: {  	v3 =	vadd.s32 v1, v3;
	_ =	sdelay $0x1  }
0x126: {  	s26 =	simm.s32 $0x8800  }
0x127: {  	[tilespmem:s26], [sflag:$0x2] =	stream.indirect_vreg.gather [hbm4b:s4+s2], $0x80, v4, vm0, $0xb8;
	[tilespmem:$0x12C00] =	vst v63  }
0x128: {  	s26 =	simm.s32 $0x9000  }
0x129: {  	[tilespmem:s26], [sflag:$0x2] =	stream.indirect_vreg.gather [hbm4b:s4+s2], $0x80, v3, vm0, $0xb8;
	[tilespmem:$0x12C00] =	vst v63  }
0x12a: {  	v3 =	vld [tilespmem:s25+$0x14B0];
	_ =	sdelay $0x4  }
0x12b: {  	v63 =	vshll.u32 v3, $0x1  }
0x12c: {  	v3 =	vand.u32 $0x7, v3;
	v4 =	vand.u32 $0xFFFFFFF0, v63  }
0x12d: {  	v3 =	vor.u32 v3, v4  }
0x12e: {  	v4 =	vperm.xlane v3, v0;
	_ =	sdelay $0x1  }
0x12f: {  	v3 =	vperm.xlane v3, v2;
	v4 =	vadd.s32 v1, v4;
	_ =	sdelay $0x1  }
0x130: {  	v3 =	vadd.s32 v1, v3  }
.Ltmp5:
0x131: {  	_ = 	snop;
	(pc) =	sbr.rel .LBB2_4-.Ltmp5, $4  }
0x132: {  	s26 =	simm.s32 $0x9800  }
0x133: {  	[tilespmem:s26], [sflag:$0x2] =	stream.indirect_vreg.gather [hbm4b:s4+s2], $0x80, v4, vm0, $0xb8;
	[tilespmem:$0x12C00] =	vst v63  }
0x134: {  	s26 =	simm.s32 $0xA000  }
0x135: {  	[tilespmem:s26], [sflag:$0x2] =	stream.indirect_vreg.gather [hbm4b:s4+s2], $0x80, v3, vm0, $0xb8;
	[tilespmem:$0x12C00] =	vst v63  }
.LBB2_6:
0x136: {  	_ =	sfence.sel $0x180000  }
0x137: {  	[bflag:$0x0] =	sbarrier.arrive $0xFFFF  }
0x138: {  	_ =	strace $0x90000047  }
0x139: {  	s0 =	stileid.u32;
	[bflag:$0x2] =	sbarrier.arrive $0xFFFF  }
0x13a: {  	p0 =	sne.s32 s0, $0x0;
	s0 =	rddreg [dreg:$0x2]  }
0x13b: {  	s0 =	sadd.s32 @!p0 $0x100000, s0  }
0x13c: {  	[sflag:s0] =	ssyncadd.tile.s32 @!p0 $0x1;
	_ =	shalt  }
.Lfunc_end2:
_tile_overlayer_lowered:
.L_overlay_start_2:
0x13d: {  	(tag) =	ssettag $0x2  }
0x13e: {  	s0 =	rddreg [dreg:$0x0];
	s2 =	stileid.u32  }
0x13f: {  	s1 =	rddreg [dreg:$0x1];
	p0 =	sne.s32 s2, $0x0  }
0x140: {  	s3 =	rddreg [dreg:$0x2];
	[bflag:$0x3] =	sbarrier.arrive $0xFFFF;
	s2 =	simm.s32 @!p0 $0x1C05  }
0x141: {  	[timem:s3], [sflag:s2] =	dma.local @!p0 [hbm:s0], s1  }
0x142: {  	s0 =	simm.s32 @!p0 $0x5  }
0x143: {  	_ =	swait.ge @!p0 [sflag:s0], s1  }
0x144: {  	s1 =	ssub.s32 @!p0 $0x0, s1;
	[sflag:s0] =	ssyncset.done @!p0 $0x0  }
0x145: {  	[sflag:s0] =	ssyncadd.s32 @!p0 s1  }
0x146: {  	[bflag:$0x3] =	sbarrier.arrive $0xFFFF  }
0x147: {  	_ =	shalt  }

</sc_bundles>
